<compile_context>
chip_gen: v7x
topology: tpu7x:2x2x1
jax: 0.10.2.dev20260603
libtpu: 0.0.44.dev20260713+nightly
codegen_flags: <defaults>
</compile_context>

<pallas_src>
import functools

import jax
import jax.numpy as jnp
from jax import lax
from jax.experimental import pallas as pl
from jax.experimental.pallas import tpu as pltpu
from jax.experimental.pallas import tpu_sc as plsc

B, A, NBH = 4, 2500, 32
F = 128
NS = 50
CUTOFF = 5.0
TA = 128
A2 = 2560
NJ = A2 // TA
E2 = B * A2 * NBH
ROWS2 = B * A2
PADN = 4096
TROWS = ROWS2 + PADN
EBN = NBH * TA

def _in2f_body(x_ref, w_ref, o_ref):
    o_ref[...] = jnp.dot(x_ref[...], w_ref[...],
                         preferred_element_type=jnp.float32)


def _in2f(x2, w):
    return pl.pallas_call(
        _in2f_body,
        grid=(14,),
        in_specs=[
            pl.BlockSpec((TROWS // 14, F), lambda i: (i, 0)),
            pl.BlockSpec((F, F), lambda i: (0, 0)),
        ],
        out_specs=pl.BlockSpec((TROWS // 14, F), lambda i: (i, 0)),
        out_shape=jax.ShapeDtypeStruct((TROWS, F), jnp.float32),
    )(x2, w)


NW = 32
PER_W = E2 // NW
CH = 80
N_CH = PER_W // CH


def _sc_gather(table, idx):
    mesh = plsc.VectorSubcoreMesh(core_axis_name="c", subcore_axis_name="s")

    @functools.partial(
        pl.kernel,
        mesh=mesh,
        out_type=jax.ShapeDtypeStruct((E2, F), jnp.float32),
        scratch_types=[
            pltpu.VMEM((PER_W,), jnp.int32),
            pltpu.VMEM((2, CH, F), jnp.float32),
            pltpu.SemaphoreType.DMA,
            pltpu.SemaphoreType.DMA,
        ],
    )
    def k(table_hbm, idx_hbm, out_hbm, idx_v, rows_v, gsem, wsem):
        wid = lax.axis_index("s") * 2 + lax.axis_index("c")
        base = wid * PER_W
        pltpu.sync_copy(idx_hbm.at[pl.ds(base, PER_W)], idx_v)
        pltpu.async_copy(table_hbm.at[idx_v.at[pl.ds(0, CH)]],
                         rows_v.at[0], gsem)

        def body(i, carry):
            buf = lax.rem(i, 2)
            nbuf = lax.rem(i + 1, 2)

            @pl.when(i >= 1)
            def _():
                pltpu.make_async_copy(
                    rows_v.at[nbuf], out_hbm.at[pl.ds(base, CH)],
                    wsem).wait()

            @pl.when(i + 1 < N_CH)
            def _():
                pltpu.async_copy(
                    table_hbm.at[idx_v.at[pl.ds((i + 1) * CH, CH)]],
                    rows_v.at[nbuf], gsem)

            pltpu.make_async_copy(table_hbm.at[idx_v.at[pl.ds(0, CH)]],
                                  rows_v.at[buf], gsem).wait()
            pltpu.async_copy(rows_v.at[buf],
                             out_hbm.at[pl.ds(base + i * CH, CH)], wsem)
            return carry

        lax.fori_loop(0, N_CH, body, 0)
        pltpu.make_async_copy(rows_v.at[(N_CH - 1) % 2],
                              out_hbm.at[pl.ds(base, CH)], wsem).wait()

    return k(table, idx)


def _filter_body(g_ref, w0_ref, b0_ref, w1_ref, b1_ref, w2_ref, b2_ref,
                 o_ref):
    gT = g_ref[...].reshape(NS, EBN)
    h = jax.nn.gelu(jnp.dot(w0_ref[...], gT,
                            preferred_element_type=jnp.float32) + b0_ref[...])
    h = jax.nn.gelu(jnp.dot(w1_ref[...], h,
                            preferred_element_type=jnp.float32) + b1_ref[...])
    wfT = jnp.dot(w2_ref[...], h,
                  preferred_element_type=jnp.float32) + b2_ref[...]
    o_ref[...] = jnp.transpose(wfT).astype(jnp.bfloat16)


def _filter(ft, w0t, b0c, w1t, b1c, w2t, b2c):
    full2 = lambda b, j: (0, 0)
    return pl.pallas_call(
        _filter_body,
        grid=(B, NJ),
        in_specs=[
            pl.BlockSpec((1, NS, NBH, TA), lambda b, j: (b, 0, 0, j)),
            pl.BlockSpec((F, NS), full2),
            pl.BlockSpec((F, 1), full2),
            pl.BlockSpec((F, F), full2),
            pl.BlockSpec((F, 1), full2),
            pl.BlockSpec((F, F), full2),
            pl.BlockSpec((F, 1), full2),
        ],
        out_specs=pl.BlockSpec((EBN, F), lambda b, j: (b * NJ + j, 0)),
        out_shape=jax.ShapeDtypeStruct((E2, F), jnp.bfloat16),
    )(ft, w0t, b0c, w1t, b1c, w2t, b2c)


def _combine_body(wf_ref, y_ref, w3_ref, b3_ref, w4_ref, b4_ref, o_ref):
    p = wf_ref[...].astype(jnp.float32) * y_ref[...].reshape(EBN, F)
    agg = p.reshape(NBH, TA, F).sum(axis=0)
    v = jax.nn.gelu(jnp.dot(agg, w3_ref[...],
                            preferred_element_type=jnp.float32) + b3_ref[...])
    o_ref[...] = jnp.dot(v, w4_ref[...],
                         preferred_element_type=jnp.float32) + b4_ref[...]


def _combine(wf, y3, w3, b3, w4, b4):
    full2 = lambda b, j: (0, 0)
    return pl.pallas_call(
        _combine_body,
        grid=(B, NJ),
        in_specs=[
            pl.BlockSpec((EBN, F), lambda b, j: (b * NJ + j, 0)),
            pl.BlockSpec((1, NBH, TA, F), lambda b, j: (b, 0, j, 0)),
            pl.BlockSpec((F, F), full2),
            pl.BlockSpec((1, F), full2),
            pl.BlockSpec((F, F), full2),
            pl.BlockSpec((1, F), full2),
        ],
        out_specs=pl.BlockSpec((TA, F), lambda b, j: (b * NJ + j, 0)),
        out_shape=jax.ShapeDtypeStruct((ROWS2, F), jnp.float32),
    )(wf, y3, w3, b3, w4, b4)


def kernel(x, r_ij, neighbors, neighbor_mask, f_ij,
           W_filt0, b_filt0, W_filt1, b_filt1, W_filt2, b_filt2,
           W_in2f, W_f2out, b_f2out, W_dense, b_dense):
    x_pad = jnp.concatenate(
        [jnp.pad(x, ((0, 0), (0, A2 - A), (0, 0))).reshape(ROWS2, F),
         jnp.zeros((PADN, F), jnp.float32)])
    y = _in2f(x_pad, W_in2f)

    nbr_t = jnp.pad(jnp.transpose(neighbors.astype(jnp.int32), (0, 2, 1)),
                    ((0, 0), (0, 0), (0, A2 - A)))
    r_t = jnp.pad(jnp.transpose(r_ij, (0, 2, 1)),
                  ((0, 0), (0, 0), (0, A2 - A)),
                  constant_values=2.0 * CUTOFF)
    m_t = jnp.pad(jnp.transpose(neighbor_mask, (0, 2, 1)),
                  ((0, 0), (0, 0), (0, A2 - A)))
    keep = (m_t != 0.0) & (r_t < CUTOFF)
    flat = nbr_t + (jnp.arange(B, dtype=jnp.int32) * A2)[:, None, None]
    spread = (ROWS2 + (jnp.arange(E2, dtype=jnp.int32) & (PADN - 1))
              ).reshape(B, NBH, A2)
    flat_idx = jnp.where(keep, flat, spread).reshape(E2)

    y_nbh = _sc_gather(y, flat_idx)

    ft = jnp.transpose(f_ij, (0, 3, 2, 1))
    wf = _filter(
        ft,
        W_filt0.T, b_filt0.reshape(F, 1),
        W_filt1.T, b_filt1.reshape(F, 1),
        W_filt2.T, b_filt2.reshape(F, 1))
    out = _combine(wf, y_nbh.reshape(B, NBH, A2, F),
                   W_f2out, b_f2out.reshape(1, F),
                   W_dense, b_dense.reshape(1, F))
    return out.reshape(B, A2, F)[:, :A, :]

# --- scband reference (transcript-rebuilt; emitter-appended) ---
"""Pipeline reference for scband-ca-sch-net-in-ex-50148038148176 (READ-ONLY COPY).

The authoritative reference and input builder live on the scoring server;
editing this copy changes nothing except your own understanding.
"""

import jax, jax.numpy as jnp
import numpy as np

B, A, NBH = 4, 2500, 32
N_ATOM_BASIS = 128
N_FILTER_IN = 128
N_FILTERS = 128
N_SPATIAL = 50
CUTOFF = 5.0


def _init_w(key, shape):
    fan_in = shape[0]
    return jax.random.normal(key, shape, dtype=jnp.float32) / jnp.sqrt(float(fan_in))


def setup_inputs(seed: int = 0) -> dict:
    key = jax.random.key(seed)
    ks = jax.random.split(key, 16)
    x = jax.random.normal(ks[0], (B, A, N_ATOM_BASIS), dtype=jnp.float32)
    r_ij = jax.random.uniform(ks[1], (B, A, NBH), minval=0.1, maxval=6.0, dtype=jnp.float32)
    neighbors = jax.random.randint(ks[2], (B, A, NBH), 0, A)
    neighbor_mask = jnp.ones((B, A, NBH), dtype=jnp.float32)
    # expanded interatomic distances in a Gaussian radial basis
    offsets = jnp.linspace(0.0, CUTOFF, N_SPATIAL)
    width = offsets[1] - offsets[0]
    f_ij = jnp.exp(-0.5 * ((r_ij[..., None] - offsets) / width) ** 2).astype(jnp.float32)
    params = {
        # CFCA_module filter-generating network: n_spatial_basis -> n_filter_in -> ... -> n_filters
        'W_filt0': _init_w(ks[3], (N_SPATIAL, N_FILTER_IN)),
        'b_filt0': jnp.zeros((N_FILTER_IN,), jnp.float32),
        'W_filt1': _init_w(ks[4], (N_FILTER_IN, N_FILTERS)),
        'b_filt1': jnp.zeros((N_FILTERS,), jnp.float32),
        'W_filt2': _init_w(ks[5], (N_FILTERS, N_FILTERS)),
        'b_filt2': jnp.zeros((N_FILTERS,), jnp.float32),
        # CACFConv in2f (no bias) and f2out (bias + activation)
        'W_in2f': _init_w(ks[6], (N_ATOM_BASIS, N_FILTERS)),
        'W_f2out': _init_w(ks[7], (N_FILTERS, N_ATOM_BASIS)),
        'b_f2out': jnp.zeros((N_ATOM_BASIS,), jnp.float32),
        # final Dense(n_atom_basis, n_atom_basis)
        'W_dense': _init_w(ks[8], (N_ATOM_BASIS, N_ATOM_BASIS)),
        'b_dense': jnp.zeros((N_ATOM_BASIS,), jnp.float32),
    }
    out = dict(x=x, r_ij=r_ij, neighbors=neighbors, neighbor_mask=neighbor_mask, f_ij=f_ij)
    out.update(params)
    return out


def reference(x, r_ij, neighbors, neighbor_mask, f_ij,
              W_filt0, b_filt0, W_filt1, b_filt1, W_filt2, b_filt2,
              W_in2f, W_f2out, b_f2out, W_dense, b_dense):
    # filter-generating network on expanded distances (gelu activations)
    h = jax.nn.gelu(f_ij @ W_filt0 + b_filt0)
    h = jax.nn.gelu(h @ W_filt1 + b_filt1)
    Wf = h @ W_filt2 + b_filt2  # (B, A, NBH, n_filters)
    # hard cutoff
    C = (r_ij < CUTOFF).astype(x.dtype)
    Wf = Wf * C[..., None]
    # in2f dense
    y = x @ W_in2f  # (B, A, n_filters)
    # gather neighbor features: y_nbh[b,a,n,:] = y[b, neighbors[b,a,n], :]
    idx = neighbors.reshape(B, A * NBH)
    y_nbh = jnp.take_along_axis(y, idx[:, :, None], axis=1).reshape(B, A, NBH, N_FILTERS)
    # continuous-filter convolution: elementwise product + masked sum over neighbors
    y_nbh = y_nbh * Wf
    y_nbh = y_nbh * neighbor_mask[..., None]
    agg = jnp.sum(y_nbh, axis=2)  # normalize_filter=False -> sum
    # f2out dense with activation
    v = jax.nn.gelu(agg @ W_f2out + b_f2out)
    # final dense (no activation)
    v = v @ W_dense + b_dense
    return v

if __name__ == "__main__":
    import jax
    _d = setup_inputs()
    print(jax.jit(kernel)(*tuple(_d.values())))

</pallas_src>

<mosaic_0001>
#map = affine_map<(d0, d1) -> (0, 0)>
#map1 = affine_map<(d0, d1) -> (0)>
module attributes {stable_mosaic.version = 14 : i64} {
  func.func @k(%arg0: i32, %arg1: i32, %arg2: memref<14336x128xf32, #tpu.memory_space<hbm>>, %arg3: memref<327680xi32, #tpu.memory_space<hbm>>, %arg4: memref<327680x128xf32, #tpu.memory_space<hbm>>, %arg5: memref<10240xi32, #tpu.memory_space<vmem>>, %arg6: memref<2x80x128xf32, #tpu.memory_space<vmem>>, %arg7: memref<!tpu.dma_semaphore, #tpu.memory_space<semaphore_mem>>, %arg8: memref<!tpu.dma_semaphore, #tpu.memory_space<semaphore_mem>>) attributes {dimension_semantics = [#tpu.dimension_semantics<core_parallel>, #tpu.dimension_semantics<subcore_parallel>], iteration_bounds = array<i64: 2, 16>, scalar_prefetch = 0 : i64, scratch_operands = 4 : i64, tpu.core_type = #tpu.core_type<sc_vector_subcore>, window_params = [{transform_indices = #map}, {transform_indices = #map1}, {transform_indices = #map}]} {
    %mul3A = arith.constant 2 : i32
    %mul3A_0 = arith.muli %arg1, %mul3A : i32
    %add3A = arith.addi %mul3A_0, %arg0 : i32
    %mul3A_1 = arith.constant 10240 : i32
    %mul3A_2 = arith.muli %add3A, %mul3A_1 : i32
    "tpu.region"() ({
      %run_scoped3A = tpu.sem_alloc : memref<!tpu.dma_semaphore, #tpu.memory_space<semaphore_mem>>
      %dma_start3A_29 = tpu.memref_slice %arg3[%mul3A_2] : memref<327680xi32, #tpu.memory_space<hbm>> -> memref<10240xi32, #tpu.memory_space<hbm>>
      %dma_start3A_30 = tpu.memref_slice %arg3[%mul3A_2] : memref<327680xi32, #tpu.memory_space<hbm>> -> memref<10240xi32, #tpu.memory_space<hbm>>
      tpu.enqueue_dma source(%dma_start3A_30 : memref<10240xi32, #tpu.memory_space<hbm>>) target(%arg5 : memref<10240xi32, #tpu.memory_space<vmem>>) target_semaphore(%run_scoped3A : memref<!tpu.dma_semaphore, #tpu.memory_space<semaphore_mem>>)
      %dma_wait3A_31 = tpu.memref_slice %arg3[%mul3A_2] : memref<327680xi32, #tpu.memory_space<hbm>> -> memref<10240xi32, #tpu.memory_space<hbm>>
      %dma_wait3A_32 = tpu.memref_slice %arg3[%mul3A_2] : memref<327680xi32, #tpu.memory_space<hbm>> -> memref<10240xi32, #tpu.memory_space<hbm>>
      tpu.wait_dma2 semaphore(%run_scoped3A : memref<!tpu.dma_semaphore, #tpu.memory_space<semaphore_mem>>) src(%dma_wait3A_32 : memref<10240xi32, #tpu.memory_space<hbm>>) dst(%arg5 : memref<10240xi32, #tpu.memory_space<vmem>>)
      tpu.yield
    }) : () -> ()
    %dma_start3A = arith.constant 0 : i32
    %dma_start3A_3 = arith.constant 0 : i32
    %dma_start3A_4 = arith.constant 0 : i32
    %dma_start3A_5 = tpu.memref_slice %arg6[%dma_start3A, %dma_start3A_3, %dma_start3A_4] : memref<2x80x128xf32, #tpu.memory_space<vmem>> -> memref<1x80x128xf32, #tpu.memory_space<vmem>>
    %dma_start3A_6 = tpu.memref_squeeze %dma_start3A_5 : memref<1x80x128xf32, #tpu.memory_space<vmem>> -> memref<80x128xf32, #tpu.memory_space<vmem>>
    %dma_start3A_7 = arith.constant 0 : i32
    %dma_start3A_8 = tpu.memref_slice %arg5[%dma_start3A_7] : memref<10240xi32, #tpu.memory_space<vmem>> -> memref<80xi32, #tpu.memory_space<vmem>>
    %dma_start3A_9 = arith.constant 0 : i32
    %dma_start3A_10 = arith.constant 0 : i32
    %dma_start3A_11 = tpu.memref_slice %arg2[%dma_start3A_9, %dma_start3A_10] : memref<14336x128xf32, #tpu.memory_space<hbm>> -> memref<14336x128xf32, #tpu.memory_space<hbm>>
    tpu.enqueue_indirect_dma source(%dma_start3A_11 : memref<14336x128xf32, #tpu.memory_space<hbm>>) target(%dma_start3A_6 : memref<80x128xf32, #tpu.memory_space<vmem>>) offsets(%dma_start3A_8 : memref<80xi32, #tpu.memory_space<vmem>>) semaphore(%arg7 : memref<!tpu.dma_semaphore, #tpu.memory_space<semaphore_mem>>)
    %scan3A = arith.constant 0 : i32
    %scan3A_12 = arith.constant 0 : i32
    %scan3A_13 = arith.constant 128 : i32
    %scan3A_14 = arith.addi %scan3A_12, %scan3A_13 : i32
    %scan3A_15 = arith.constant 1 : i32
    scf.for %scan3A_29 = %scan3A_12 to %scan3A_14 step %scan3A_15  : i32 {
      %rem3A = arith.constant 2 : i32
      %rem3A_30 = arith.remsi %scan3A_29, %rem3A : i32
      %add3A_31 = arith.constant 1 : i32
      %add3A_32 = arith.addi %scan3A_29, %add3A_31 : i32
      %rem3A_33 = arith.constant 2 : i32
      %rem3A_34 = arith.remsi %add3A_32, %rem3A_33 : i32
      %ge3A = arith.constant 1 : i32
      %ge3A_35 = arith.cmpi sge, %scan3A_29, %ge3A : i32
      %convert_element_type3A = arith.extui %ge3A_35 : i1 to i32
      %cond3A = arith.constant 0 : i32
      %cond3A_36 = arith.cmpi ne, %convert_element_type3A, %cond3A : i32
      scf.if %cond3A_36 {
        %dma_wait3A_67 = arith.constant 0 : i32
        %dma_wait3A_68 = arith.constant 0 : i32
        %dma_wait3A_69 = tpu.memref_slice %arg6[%rem3A_34, %dma_wait3A_67, %dma_wait3A_68] : memref<2x80x128xf32, #tpu.memory_space<vmem>> -> memref<1x80x128xf32, #tpu.memory_space<vmem>>
        %dma_wait3A_70 = tpu.memref_squeeze %dma_wait3A_69 : memref<1x80x128xf32, #tpu.memory_space<vmem>> -> memref<80x128xf32, #tpu.memory_space<vmem>>
        %dma_wait3A_71 = arith.constant 0 : i32
        %dma_wait3A_72 = tpu.memref_slice %arg4[%mul3A_2, %dma_wait3A_71] : memref<327680x128xf32, #tpu.memory_space<hbm>> -> memref<80x128xf32, #tpu.memory_space<hbm>>
        %dma_wait3A_73 = arith.constant 0 : i32
        %dma_wait3A_74 = tpu.memref_slice %arg4[%mul3A_2, %dma_wait3A_73] : memref<327680x128xf32, #tpu.memory_space<hbm>> -> memref<80x128xf32, #tpu.memory_space<hbm>>
        %dma_wait3A_75 = arith.constant 0 : i32
        %dma_wait3A_76 = arith.constant 0 : i32
        %dma_wait3A_77 = tpu.memref_slice %arg6[%rem3A_34, %dma_wait3A_75, %dma_wait3A_76] : memref<2x80x128xf32, #tpu.memory_space<vmem>> -> memref<1x80x128xf32, #tpu.memory_space<vmem>>
        %dma_wait3A_78 = tpu.memref_squeeze %dma_wait3A_77 : memref<1x80x128xf32, #tpu.memory_space<vmem>> -> memref<80x128xf32, #tpu.memory_space<vmem>>
        tpu.wait_dma2 semaphore(%arg8 : memref<!tpu.dma_semaphore, #tpu.memory_space<semaphore_mem>>) src(%dma_wait3A_78 : memref<80x128xf32, #tpu.memory_space<vmem>>) dst(%dma_wait3A_74 : memref<80x128xf32, #tpu.memory_space<hbm>>)
      } else {
      }
      %add3A_37 = arith.constant 1 : i32
      %add3A_38 = arith.addi %scan3A_29, %add3A_37 : i32
      %lt3A = arith.constant 128 : i32
      %lt3A_39 = arith.cmpi slt, %add3A_38, %lt3A : i32
      %convert_element_type3A_40 = arith.extui %lt3A_39 : i1 to i32
      %cond3A_41 = arith.constant 0 : i32
      %cond3A_42 = arith.cmpi ne, %convert_element_type3A_40, %cond3A_41 : i32
      scf.if %cond3A_42 {
        %add3A_67 = arith.constant 1 : i32
        %add3A_68 = arith.addi %scan3A_29, %add3A_67 : i32
        %mul3A_69 = arith.constant 80 : i32
        %mul3A_70 = arith.muli %add3A_68, %mul3A_69 : i32
        %dma_start3A_71 = arith.constant 0 : i32
        %dma_start3A_72 = arith.constant 0 : i32
        %dma_start3A_73 = tpu.memref_slice %arg6[%rem3A_34, %dma_start3A_71, %dma_start3A_72] : memref<2x80x128xf32, #tpu.memory_space<vmem>> -> memref<1x80x128xf32, #tpu.memory_space<vmem>>
        %dma_start3A_74 = tpu.memref_squeeze %dma_start3A_73 : memref<1x80x128xf32, #tpu.memory_space<vmem>> -> memref<80x128xf32, #tpu.memory_space<vmem>>
        %dma_start3A_75 = tpu.memref_slice %arg5[%mul3A_70] : memref<10240xi32, #tpu.memory_space<vmem>> -> memref<80xi32, #tpu.memory_space<vmem>>
        %dma_start3A_76 = arith.constant 0 : i32
        %dma_start3A_77 = arith.constant 0 : i32
        %dma_start3A_78 = tpu.memref_slice %arg2[%dma_start3A_76, %dma_start3A_77] : memref<14336x128xf32, #tpu.memory_space<hbm>> -> memref<14336x128xf32, #tpu.memory_space<hbm>>
        tpu.enqueue_indirect_dma source(%dma_start3A_78 : memref<14336x128xf32, #tpu.memory_space<hbm>>) target(%dma_start3A_74 : memref<80x128xf32, #tpu.memory_space<vmem>>) offsets(%dma_start3A_75 : memref<80xi32, #tpu.memory_space<vmem>>) semaphore(%arg7 : memref<!tpu.dma_semaphore, #tpu.memory_space<semaphore_mem>>)
      } else {
      }
      %dma_wait3A_43 = arith.constant 0 : i32
      %dma_wait3A_44 = arith.constant 0 : i32
      %dma_wait3A_45 = tpu.memref_slice %arg6[%rem3A_30, %dma_wait3A_43, %dma_wait3A_44] : memref<2x80x128xf32, #tpu.memory_space<vmem>> -> memref<1x80x128xf32, #tpu.memory_space<vmem>>
      %dma_wait3A_46 = tpu.memref_squeeze %dma_wait3A_45 : memref<1x80x128xf32, #tpu.memory_space<vmem>> -> memref<80x128xf32, #tpu.memory_space<vmem>>
      %dma_wait3A_47 = arith.constant 0 : i32
      %dma_wait3A_48 = tpu.memref_slice %arg5[%dma_wait3A_47] : memref<10240xi32, #tpu.memory_space<vmem>> -> memref<80xi32, #tpu.memory_space<vmem>>
      %dma_wait3A_49 = arith.constant 0 : i32
      %dma_wait3A_50 = arith.constant 0 : i32
      %dma_wait3A_51 = tpu.memref_slice %arg2[%dma_wait3A_49, %dma_wait3A_50] : memref<14336x128xf32, #tpu.memory_space<hbm>> -> memref<14336x128xf32, #tpu.memory_space<hbm>>
      tpu.wait_indirect_dma semaphore(%arg7 : memref<!tpu.dma_semaphore, #tpu.memory_space<semaphore_mem>>) src(%dma_wait3A_51 : memref<14336x128xf32, #tpu.memory_space<hbm>>) dst(%dma_wait3A_46 : memref<80x128xf32, #tpu.memory_space<vmem>>)
      %mul3A_52 = arith.constant 80 : i32
      %mul3A_53 = arith.muli %scan3A_29, %mul3A_52 : i32
      %add3A_54 = arith.addi %mul3A_2, %mul3A_53 : i32
      %dma_start3A_55 = arith.constant 0 : i32
      %dma_start3A_56 = arith.constant 0 : i32
      %dma_start3A_57 = tpu.memref_slice %arg6[%rem3A_30, %dma_start3A_55, %dma_start3A_56] : memref<2x80x128xf32, #tpu.memory_space<vmem>> -> memref<1x80x128xf32, #tpu.memory_space<vmem>>
      %dma_start3A_58 = tpu.memref_squeeze %dma_start3A_57 : memref<1x80x128xf32, #tpu.memory_space<vmem>> -> memref<80x128xf32, #tpu.memory_space<vmem>>
      %dma_start3A_59 = arith.constant 0 : i32
      %dma_start3A_60 = tpu.memref_slice %arg4[%add3A_54, %dma_start3A_59] : memref<327680x128xf32, #tpu.memory_space<hbm>> -> memref<80x128xf32, #tpu.memory_space<hbm>>
      %dma_start3A_61 = arith.constant 0 : i32
      %dma_start3A_62 = tpu.memref_slice %arg4[%add3A_54, %dma_start3A_61] : memref<327680x128xf32, #tpu.memory_space<hbm>> -> memref<80x128xf32, #tpu.memory_space<hbm>>
      %dma_start3A_63 = arith.constant 0 : i32
      %dma_start3A_64 = arith.constant 0 : i32
      %dma_start3A_65 = tpu.memref_slice %arg6[%rem3A_30, %dma_start3A_63, %dma_start3A_64] : memref<2x80x128xf32, #tpu.memory_space<vmem>> -> memref<1x80x128xf32, #tpu.memory_space<vmem>>
      %dma_start3A_66 = tpu.memref_squeeze %dma_start3A_65 : memref<1x80x128xf32, #tpu.memory_space<vmem>> -> memref<80x128xf32, #tpu.memory_space<vmem>>
      tpu.enqueue_dma source(%dma_start3A_66 : memref<80x128xf32, #tpu.memory_space<vmem>>) target(%dma_start3A_62 : memref<80x128xf32, #tpu.memory_space<hbm>>) target_semaphore(%arg8 : memref<!tpu.dma_semaphore, #tpu.memory_space<semaphore_mem>>)
    }
    %scan3A_16 = arith.constant 128 : i32
    %dma_wait3A = arith.constant 1 : i32
    %dma_wait3A_17 = arith.constant 0 : i32
    %dma_wait3A_18 = arith.constant 0 : i32
    %dma_wait3A_19 = tpu.memref_slice %arg6[%dma_wait3A, %dma_wait3A_17, %dma_wait3A_18] : memref<2x80x128xf32, #tpu.memory_space<vmem>> -> memref<1x80x128xf32, #tpu.memory_space<vmem>>
    %dma_wait3A_20 = tpu.memref_squeeze %dma_wait3A_19 : memref<1x80x128xf32, #tpu.memory_space<vmem>> -> memref<80x128xf32, #tpu.memory_space<vmem>>
    %dma_wait3A_21 = arith.constant 0 : i32
    %dma_wait3A_22 = tpu.memref_slice %arg4[%mul3A_2, %dma_wait3A_21] : memref<327680x128xf32, #tpu.memory_space<hbm>> -> memref<80x128xf32, #tpu.memory_space<hbm>>
    %dma_wait3A_23 = arith.constant 0 : i32
    %dma_wait3A_24 = tpu.memref_slice %arg4[%mul3A_2, %dma_wait3A_23] : memref<327680x128xf32, #tpu.memory_space<hbm>> -> memref<80x128xf32, #tpu.memory_space<hbm>>
    %dma_wait3A_25 = arith.constant 0 : i32
    %dma_wait3A_26 = arith.constant 0 : i32
    %dma_wait3A_27 = tpu.memref_slice %arg6[%dma_wait3A, %dma_wait3A_25, %dma_wait3A_26] : memref<2x80x128xf32, #tpu.memory_space<vmem>> -> memref<1x80x128xf32, #tpu.memory_space<vmem>>
    %dma_wait3A_28 = tpu.memref_squeeze %dma_wait3A_27 : memref<1x80x128xf32, #tpu.memory_space<vmem>> -> memref<80x128xf32, #tpu.memory_space<vmem>>
    tpu.wait_dma2 semaphore(%arg8 : memref<!tpu.dma_semaphore, #tpu.memory_space<semaphore_mem>>) src(%dma_wait3A_28 : memref<80x128xf32, #tpu.memory_space<vmem>>) dst(%dma_wait3A_24 : memref<80x128xf32, #tpu.memory_space<hbm>>)
    return
  }
}

module attributes {stable_mosaic.version = 14 : i64} {
  func.func @_in2f_body(%arg0: i32, %arg1: memref<1024x128xf32, #tpu.memory_space<vmem>>, %arg2: memref<128x128xf32, #tpu.memory_space<vmem>>, %arg3: memref<1024x128xf32, #tpu.memory_space<vmem>>) attributes {dimension_semantics = [#tpu.dimension_semantics<arbitrary>], iteration_bounds = array<i64: 14>, scalar_prefetch = 0 : i64, scratch_operands = 0 : i64, tpu.core_type = #tpu.core_type<tc>, window_params = [{transform_indices = @transform_0, window_bounds = array<i64: 1024, 128>}, {pipeline_mode = #tpu.pipeline_mode<synchronous>, transform_indices = @transform_1, window_bounds = array<i64: 128, 128>}, {transform_indices = @transform_2, window_bounds = array<i64: 1024, 128>}]} {
    %get3A = arith.constant 0 : index
    %get3A_0 = arith.constant 0 : index
    %get3A_1 = vector.load %arg1[%get3A, %get3A_0] : memref<1024x128xf32, #tpu.memory_space<vmem>>, vector<1024x128xf32>
    %get3A_2 = arith.constant 0 : index
    %get3A_3 = arith.constant 0 : index
    %get3A_4 = vector.load %arg2[%get3A_2, %get3A_3] : memref<128x128xf32, #tpu.memory_space<vmem>>, vector<128x128xf32>
    %dot_general3A = arith.constant dense<0.000000e+00> : vector<1024x128xf32>
    %dot_general3A_5 = tpu.matmul %get3A_1, %get3A_4, %dot_general3A {dimension_numbers = #tpu.dot_dimension_numbers<[1], [0], [0], [1], [0, 0, 1, 1], [], []>, transpose_lhs_hint = false} : vector<1024x128xf32>, vector<128x128xf32>, vector<1024x128xf32> -> vector<1024x128xf32>
    %swap3A = arith.constant 0 : index
    %swap3A_6 = arith.constant 0 : index
    %swap3A_7 = vector.load %arg3[%swap3A, %swap3A_6] : memref<1024x128xf32, #tpu.memory_space<vmem>>, vector<1024x128xf32>
    tpu.vector_store %arg3[%swap3A, %swap3A_6], %dot_general3A_5 {strides = array<i32>} : memref<1024x128xf32, #tpu.memory_space<vmem>>, vector<1024x128xf32>,
    return
  }
  func.func @transform_0(%arg0: i32) -> (i32, i32) {
    %c0_i32 = arith.constant 0 : i32
    %c0_i32_0 = arith.constant 0 : i32
    return %arg0, %c0_i32 : i32, i32
  }
  func.func @transform_1(%arg0: i32) -> (i32, i32) {
    %c0_i32 = arith.constant 0 : i32
    %c0_i32_0 = arith.constant 0 : i32
    %c0_i32_1 = arith.constant 0 : i32
    return %c0_i32, %c0_i32_0 : i32, i32
  }
  func.func @transform_2(%arg0: i32) -> (i32, i32) {
    %c0_i32 = arith.constant 0 : i32
    %c0_i32_0 = arith.constant 0 : i32
    return %arg0, %c0_i32 : i32, i32
  }
}

module attributes {stable_mosaic.version = 14 : i64} {
  func.func @_filter_body(%arg0: i32, %arg1: i32, %arg2: memref<1x50x32x128xf32, #tpu.memory_space<vmem>>, %arg3: memref<128x50xf32, #tpu.memory_space<vmem>>, %arg4: memref<128x1xf32, #tpu.memory_space<vmem>>, %arg5: memref<128x128xf32, #tpu.memory_space<vmem>>, %arg6: memref<128x1xf32, #tpu.memory_space<vmem>>, %arg7: memref<128x128xf32, #tpu.memory_space<vmem>>, %arg8: memref<128x1xf32, #tpu.memory_space<vmem>>, %arg9: memref<4096x128xbf16, #tpu.memory_space<vmem>>) attributes {dimension_semantics = [#tpu.dimension_semantics<arbitrary>, #tpu.dimension_semantics<arbitrary>], iteration_bounds = array<i64: 4, 20>, scalar_prefetch = 0 : i64, scratch_operands = 0 : i64, tpu.core_type = #tpu.core_type<tc>, window_params = [{transform_indices = @transform_0, window_bounds = array<i64: 1, 50, 32, 128>}, {pipeline_mode = #tpu.pipeline_mode<synchronous>, transform_indices = @transform_1, window_bounds = array<i64: 128, 50>}, {pipeline_mode = #tpu.pipeline_mode<synchronous>, transform_indices = @transform_2, window_bounds = array<i64: 128, 1>}, {pipeline_mode = #tpu.pipeline_mode<synchronous>, transform_indices = @transform_3, window_bounds = array<i64: 128, 128>}, {pipeline_mode = #tpu.pipeline_mode<synchronous>, transform_indices = @transform_4, window_bounds = array<i64: 128, 1>}, {pipeline_mode = #tpu.pipeline_mode<synchronous>, transform_indices = @transform_5, window_bounds = array<i64: 128, 128>}, {pipeline_mode = #tpu.pipeline_mode<synchronous>, transform_indices = @transform_6, window_bounds = array<i64: 128, 1>}, {transform_indices = @transform_7, window_bounds = array<i64: 4096, 128>}]} {
    %get3A = arith.constant 0 : index
    %get3A_0 = arith.constant 0 : index
    %get3A_1 = arith.constant 0 : index
    %get3A_2 = arith.constant 0 : index
    %get3A_3 = vector.load %arg2[%get3A, %get3A_0, %get3A_1, %get3A_2] : memref<1x50x32x128xf32, #tpu.memory_space<vmem>>, vector<1x50x32x128xf32>
    %reshape3A = vector.shape_cast %get3A_3 : vector<1x50x32x128xf32> to vector<50x4096xf32>
    %get3A_4 = arith.constant 0 : index
    %get3A_5 = arith.constant 0 : index
    %get3A_6 = vector.load %arg3[%get3A_4, %get3A_5] : memref<128x50xf32, #tpu.memory_space<vmem>>, vector<128x50xf32>
    %dot_general3A = arith.constant dense<0.000000e+00> : vector<128x4096xf32>
    %dot_general3A_7 = tpu.matmul %get3A_6, %reshape3A, %dot_general3A {dimension_numbers = #tpu.dot_dimension_numbers<[1], [0], [0], [1], [0, 0, 1, 1], [], []>, transpose_lhs_hint = false} : vector<128x50xf32>, vector<50x4096xf32>, vector<128x4096xf32> -> vector<128x4096xf32>
    %get3A_8 = arith.constant 0 : index
    %get3A_9 = arith.constant 0 : index
    %get3A_10 = vector.load %arg4[%get3A_8, %get3A_9] : memref<128x1xf32, #tpu.memory_space<vmem>>, vector<128x1xf32>
    %add3A = vector.broadcast %get3A_10 : vector<128x1xf32> to vector<128x4096xf32>
    %add3A_11 = arith.addf %dot_general3A_7, %add3A : vector<128x4096xf32>
    %integer_pow3A = arith.mulf %add3A_11, %add3A_11 : vector<128x4096xf32>
    %integer_pow3A_12 = arith.mulf %add3A_11, %integer_pow3A : vector<128x4096xf32>
    %mul3A = arith.constant 4.471500e-02 : f32
    %mul3A_13 = vector.broadcast %mul3A : f32 to vector<128x4096xf32>
    %mul3A_14 = arith.mulf %mul3A_13, %integer_pow3A_12 : vector<128x4096xf32>
    %add3A_15 = arith.addf %add3A_11, %mul3A_14 : vector<128x4096xf32>
    %mul3A_16 = arith.constant 0.797884583 : f32
    %mul3A_17 = vector.broadcast %mul3A_16 : f32 to vector<128x4096xf32>
    %mul3A_18 = arith.mulf %mul3A_17, %add3A_15 : vector<128x4096xf32>
    %tanh3A = math.tanh %mul3A_18 : vector<128x4096xf32>
    %add3A_19 = arith.constant 1.000000e+00 : f32
    %add3A_20 = vector.broadcast %add3A_19 : f32 to vector<128x4096xf32>
    %add3A_21 = arith.addf %add3A_20, %tanh3A : vector<128x4096xf32>
    %mul3A_22 = arith.constant 5.000000e-01 : f32
    %mul3A_23 = vector.broadcast %mul3A_22 : f32 to vector<128x4096xf32>
    %mul3A_24 = arith.mulf %mul3A_23, %add3A_21 : vector<128x4096xf32>
    %mul3A_25 = arith.mulf %add3A_11, %mul3A_24 : vector<128x4096xf32>
    %get3A_26 = arith.constant 0 : index
    %get3A_27 = arith.constant 0 : index
    %get3A_28 = vector.load %arg5[%get3A_26, %get3A_27] : memref<128x128xf32, #tpu.memory_space<vmem>>, vector<128x128xf32>
    %dot_general3A_29 = arith.constant dense<0.000000e+00> : vector<128x4096xf32>
    %dot_general3A_30 = tpu.matmul %get3A_28, %mul3A_25, %dot_general3A_29 {dimension_numbers = #tpu.dot_dimension_numbers<[1], [0], [0], [1], [0, 0, 1, 1], [], []>, transpose_lhs_hint = false} : vector<128x128xf32>, vector<128x4096xf32>, vector<128x4096xf32> -> vector<128x4096xf32>
    %get3A_31 = arith.constant 0 : index
    %get3A_32 = arith.constant 0 : index
    %get3A_33 = vector.load %arg6[%get3A_31, %get3A_32] : memref<128x1xf32, #tpu.memory_space<vmem>>, vector<128x1xf32>
    %add3A_34 = vector.broadcast %get3A_33 : vector<128x1xf32> to vector<128x4096xf32>
    %add3A_35 = arith.addf %dot_general3A_30, %add3A_34 : vector<128x4096xf32>
    %integer_pow3A_36 = arith.mulf %add3A_35, %add3A_35 : vector<128x4096xf32>
    %integer_pow3A_37 = arith.mulf %add3A_35, %integer_pow3A_36 : vector<128x4096xf32>
    %mul3A_38 = arith.constant 4.471500e-02 : f32
    %mul3A_39 = vector.broadcast %mul3A_38 : f32 to vector<128x4096xf32>
    %mul3A_40 = arith.mulf %mul3A_39, %integer_pow3A_37 : vector<128x4096xf32>
    %add3A_41 = arith.addf %add3A_35, %mul3A_40 : vector<128x4096xf32>
    %mul3A_42 = arith.constant 0.797884583 : f32
    %mul3A_43 = vector.broadcast %mul3A_42 : f32 to vector<128x4096xf32>
    %mul3A_44 = arith.mulf %mul3A_43, %add3A_41 : vector<128x4096xf32>
    %tanh3A_45 = math.tanh %mul3A_44 : vector<128x4096xf32>
    %add3A_46 = arith.constant 1.000000e+00 : f32
    %add3A_47 = vector.broadcast %add3A_46 : f32 to vector<128x4096xf32>
    %add3A_48 = arith.addf %add3A_47, %tanh3A_45 : vector<128x4096xf32>
    %mul3A_49 = arith.constant 5.000000e-01 : f32
    %mul3A_50 = vector.broadcast %mul3A_49 : f32 to vector<128x4096xf32>
    %mul3A_51 = arith.mulf %mul3A_50, %add3A_48 : vector<128x4096xf32>
    %mul3A_52 = arith.mulf %add3A_35, %mul3A_51 : vector<128x4096xf32>
    %get3A_53 = arith.constant 0 : index
    %get3A_54 = arith.constant 0 : index
    %get3A_55 = vector.load %arg7[%get3A_53, %get3A_54] : memref<128x128xf32, #tpu.memory_space<vmem>>, vector<128x128xf32>
    %dot_general3A_56 = arith.constant dense<0.000000e+00> : vector<128x4096xf32>
    %dot_general3A_57 = tpu.matmul %get3A_55, %mul3A_52, %dot_general3A_56 {dimension_numbers = #tpu.dot_dimension_numbers<[1], [0], [0], [1], [0, 0, 1, 1], [], []>, transpose_lhs_hint = false} : vector<128x128xf32>, vector<128x4096xf32>, vector<128x4096xf32> -> vector<128x4096xf32>
    %get3A_58 = arith.constant 0 : index
    %get3A_59 = arith.constant 0 : index
    %get3A_60 = vector.load %arg8[%get3A_58, %get3A_59] : memref<128x1xf32, #tpu.memory_space<vmem>>, vector<128x1xf32>
    %add3A_61 = vector.broadcast %get3A_60 : vector<128x1xf32> to vector<128x4096xf32>
    %add3A_62 = arith.addf %dot_general3A_57, %add3A_61 : vector<128x4096xf32>
    %transpose3A = tpu.transpose %add3A_62, [1, 0] : vector<128x4096xf32> -> vector<4096x128xf32>
    %convert_element_type3A = arith.truncf %transpose3A : vector<4096x128xf32> to vector<4096x128xbf16>
    %swap3A = arith.constant 0 : index
    %swap3A_63 = arith.constant 0 : index
    %swap3A_64 = vector.load %arg9[%swap3A, %swap3A_63] : memref<4096x128xbf16, #tpu.memory_space<vmem>>, vector<4096x128xbf16>
    tpu.vector_store %arg9[%swap3A, %swap3A_63], %convert_element_type3A {strides = array<i32>} : memref<4096x128xbf16, #tpu.memory_space<vmem>>, vector<4096x128xbf16>,
    return
  }
  func.func @transform_0(%arg0: i32, %arg1: i32) -> (i32, i32, i32, i32) {
    %c0_i32 = arith.constant 0 : i32
    %c0_i32_0 = arith.constant 0 : i32
    %c0_i32_1 = arith.constant 0 : i32
    return %arg0, %c0_i32, %c0_i32_0, %arg1 : i32, i32, i32, i32
  }
  func.func @transform_1(%arg0: i32, %arg1: i32) -> (i32, i32) {
    %c0_i32 = arith.constant 0 : i32
    %c0_i32_0 = arith.constant 0 : i32
    %c0_i32_1 = arith.constant 0 : i32
    return %c0_i32, %c0_i32_0 : i32, i32
  }
  func.func @transform_2(%arg0: i32, %arg1: i32) -> (i32, i32) {
    %c0_i32 = arith.constant 0 : i32
    %c0_i32_0 = arith.constant 0 : i32
    %c0_i32_1 = arith.constant 0 : i32
    return %c0_i32, %c0_i32_0 : i32, i32
  }
  func.func @transform_3(%arg0: i32, %arg1: i32) -> (i32, i32) {
    %c0_i32 = arith.constant 0 : i32
    %c0_i32_0 = arith.constant 0 : i32
    %c0_i32_1 = arith.constant 0 : i32
    return %c0_i32, %c0_i32_0 : i32, i32
  }
  func.func @transform_4(%arg0: i32, %arg1: i32) -> (i32, i32) {
    %c0_i32 = arith.constant 0 : i32
    %c0_i32_0 = arith.constant 0 : i32
    %c0_i32_1 = arith.constant 0 : i32
    return %c0_i32, %c0_i32_0 : i32, i32
  }
  func.func @transform_5(%arg0: i32, %arg1: i32) -> (i32, i32) {
    %c0_i32 = arith.constant 0 : i32
    %c0_i32_0 = arith.constant 0 : i32
    %c0_i32_1 = arith.constant 0 : i32
    return %c0_i32, %c0_i32_0 : i32, i32
  }
  func.func @transform_6(%arg0: i32, %arg1: i32) -> (i32, i32) {
    %c0_i32 = arith.constant 0 : i32
    %c0_i32_0 = arith.constant 0 : i32
    %c0_i32_1 = arith.constant 0 : i32
    return %c0_i32, %c0_i32_0 : i32, i32
  }
  func.func @transform_7(%arg0: i32, %arg1: i32) -> (i32, i32) {
    %mul3A = arith.constant 20 : i32
    %mul3A_0 = arith.muli %arg0, %mul3A : i32
    %add3A = arith.addi %mul3A_0, %arg1 : i32
    %c0_i32 = arith.constant 0 : i32
    %c0_i32_1 = arith.constant 0 : i32
    return %add3A, %c0_i32 : i32, i32
  }
}

module attributes {stable_mosaic.version = 14 : i64} {
  func.func @_combine_body(%arg0: i32, %arg1: i32, %arg2: memref<4096x128xbf16, #tpu.memory_space<vmem>>, %arg3: memref<1x32x128x128xf32, #tpu.memory_space<vmem>>, %arg4: memref<128x128xf32, #tpu.memory_space<vmem>>, %arg5: memref<1x128xf32, #tpu.memory_space<vmem>>, %arg6: memref<128x128xf32, #tpu.memory_space<vmem>>, %arg7: memref<1x128xf32, #tpu.memory_space<vmem>>, %arg8: memref<128x128xf32, #tpu.memory_space<vmem>>) attributes {dimension_semantics = [#tpu.dimension_semantics<arbitrary>, #tpu.dimension_semantics<arbitrary>], iteration_bounds = array<i64: 4, 20>, scalar_prefetch = 0 : i64, scratch_operands = 0 : i64, tpu.core_type = #tpu.core_type<tc>, window_params = [{transform_indices = @transform_0, window_bounds = array<i64: 4096, 128>}, {transform_indices = @transform_1, window_bounds = array<i64: 1, 32, 128, 128>}, {pipeline_mode = #tpu.pipeline_mode<synchronous>, transform_indices = @transform_2, window_bounds = array<i64: 128, 128>}, {pipeline_mode = #tpu.pipeline_mode<synchronous>, transform_indices = @transform_3, window_bounds = array<i64: 1, 128>}, {pipeline_mode = #tpu.pipeline_mode<synchronous>, transform_indices = @transform_4, window_bounds = array<i64: 128, 128>}, {pipeline_mode = #tpu.pipeline_mode<synchronous>, transform_indices = @transform_5, window_bounds = array<i64: 1, 128>}, {transform_indices = @transform_6, window_bounds = array<i64: 128, 128>}]} {
    %get3A = arith.constant 0 : index
    %get3A_0 = arith.constant 0 : index
    %get3A_1 = vector.load %arg2[%get3A, %get3A_0] : memref<4096x128xbf16, #tpu.memory_space<vmem>>, vector<4096x128xbf16>
    %convert_element_type3A = arith.extf %get3A_1 : vector<4096x128xbf16> to vector<4096x128xf32>
    %get3A_2 = arith.constant 0 : index
    %get3A_3 = arith.constant 0 : index
    %get3A_4 = arith.constant 0 : index
    %get3A_5 = arith.constant 0 : index
    %get3A_6 = vector.load %arg3[%get3A_2, %get3A_3, %get3A_4, %get3A_5] : memref<1x32x128x128xf32, #tpu.memory_space<vmem>>, vector<1x32x128x128xf32>
    %reshape3A = vector.shape_cast %get3A_6 : vector<1x32x128x128xf32> to vector<4096x128xf32>
    %mul3A = arith.mulf %convert_element_type3A, %reshape3A : vector<4096x128xf32>
    %reshape3A_7 = vector.shape_cast %mul3A : vector<4096x128xf32> to vector<32x128x128xf32>
    %reduce_sum3A = arith.constant dense<0.000000e+00> : vector<128x128xf32>
    %reduce_sum3A_8 = vector.multi_reduction <add>, %reshape3A_7, %reduce_sum3A [0] : vector<32x128x128xf32> to vector<128x128xf32>
    %get3A_9 = arith.constant 0 : index
    %get3A_10 = arith.constant 0 : index
    %get3A_11 = vector.load %arg4[%get3A_9, %get3A_10] : memref<128x128xf32, #tpu.memory_space<vmem>>, vector<128x128xf32>
    %dot_general3A = arith.constant dense<0.000000e+00> : vector<128x128xf32>
    %dot_general3A_12 = tpu.matmul %reduce_sum3A_8, %get3A_11, %dot_general3A {dimension_numbers = #tpu.dot_dimension_numbers<[1], [0], [0], [1], [0, 0, 1, 1], [], []>, transpose_lhs_hint = false} : vector<128x128xf32>, vector<128x128xf32>, vector<128x128xf32> -> vector<128x128xf32>
    %get3A_13 = arith.constant 0 : index
    %get3A_14 = arith.constant 0 : index
    %get3A_15 = vector.load %arg5[%get3A_13, %get3A_14] : memref<1x128xf32, #tpu.memory_space<vmem>>, vector<1x128xf32>
    %add3A = vector.broadcast %get3A_15 : vector<1x128xf32> to vector<128x128xf32>
    %add3A_16 = arith.addf %dot_general3A_12, %add3A : vector<128x128xf32>
    %integer_pow3A = arith.mulf %add3A_16, %add3A_16 : vector<128x128xf32>
    %integer_pow3A_17 = arith.mulf %add3A_16, %integer_pow3A : vector<128x128xf32>
    %mul3A_18 = arith.constant 4.471500e-02 : f32
    %mul3A_19 = vector.broadcast %mul3A_18 : f32 to vector<128x128xf32>
    %mul3A_20 = arith.mulf %mul3A_19, %integer_pow3A_17 : vector<128x128xf32>
    %add3A_21 = arith.addf %add3A_16, %mul3A_20 : vector<128x128xf32>
    %mul3A_22 = arith.constant 0.797884583 : f32
    %mul3A_23 = vector.broadcast %mul3A_22 : f32 to vector<128x128xf32>
    %mul3A_24 = arith.mulf %mul3A_23, %add3A_21 : vector<128x128xf32>
    %tanh3A = math.tanh %mul3A_24 : vector<128x128xf32>
    %add3A_25 = arith.constant 1.000000e+00 : f32
    %add3A_26 = vector.broadcast %add3A_25 : f32 to vector<128x128xf32>
    %add3A_27 = arith.addf %add3A_26, %tanh3A : vector<128x128xf32>
    %mul3A_28 = arith.constant 5.000000e-01 : f32
    %mul3A_29 = vector.broadcast %mul3A_28 : f32 to vector<128x128xf32>
    %mul3A_30 = arith.mulf %mul3A_29, %add3A_27 : vector<128x128xf32>
    %mul3A_31 = arith.mulf %add3A_16, %mul3A_30 : vector<128x128xf32>
    %get3A_32 = arith.constant 0 : index
    %get3A_33 = arith.constant 0 : index
    %get3A_34 = vector.load %arg6[%get3A_32, %get3A_33] : memref<128x128xf32, #tpu.memory_space<vmem>>, vector<128x128xf32>
    %dot_general3A_35 = arith.constant dense<0.000000e+00> : vector<128x128xf32>
    %dot_general3A_36 = tpu.matmul %mul3A_31, %get3A_34, %dot_general3A_35 {dimension_numbers = #tpu.dot_dimension_numbers<[1], [0], [0], [1], [0, 0, 1, 1], [], []>, transpose_lhs_hint = false} : vector<128x128xf32>, vector<128x128xf32>, vector<128x128xf32> -> vector<128x128xf32>
    %get3A_37 = arith.constant 0 : index
    %get3A_38 = arith.constant 0 : index
    %get3A_39 = vector.load %arg7[%get3A_37, %get3A_38] : memref<1x128xf32, #tpu.memory_space<vmem>>, vector<1x128xf32>
    %add3A_40 = vector.broadcast %get3A_39 : vector<1x128xf32> to vector<128x128xf32>
    %add3A_41 = arith.addf %dot_general3A_36, %add3A_40 : vector<128x128xf32>
    %swap3A = arith.constant 0 : index
    %swap3A_42 = arith.constant 0 : index
    %swap3A_43 = vector.load %arg8[%swap3A, %swap3A_42] : memref<128x128xf32, #tpu.memory_space<vmem>>, vector<128x128xf32>
    tpu.vector_store %arg8[%swap3A, %swap3A_42], %add3A_41 {strides = array<i32>} : memref<128x128xf32, #tpu.memory_space<vmem>>, vector<128x128xf32>,
    return
  }
  func.func @transform_0(%arg0: i32, %arg1: i32) -> (i32, i32) {
    %mul3A = arith.constant 20 : i32
    %mul3A_0 = arith.muli %arg0, %mul3A : i32
    %add3A = arith.addi %mul3A_0, %arg1 : i32
    %c0_i32 = arith.constant 0 : i32
    %c0_i32_1 = arith.constant 0 : i32
    return %add3A, %c0_i32 : i32, i32
  }
  func.func @transform_1(%arg0: i32, %arg1: i32) -> (i32, i32, i32, i32) {
    %c0_i32 = arith.constant 0 : i32
    %c0_i32_0 = arith.constant 0 : i32
    %c0_i32_1 = arith.constant 0 : i32
    return %arg0, %c0_i32, %arg1, %c0_i32_0 : i32, i32, i32, i32
  }
  func.func @transform_2(%arg0: i32, %arg1: i32) -> (i32, i32) {
    %c0_i32 = arith.constant 0 : i32
    %c0_i32_0 = arith.constant 0 : i32
    %c0_i32_1 = arith.constant 0 : i32
    return %c0_i32, %c0_i32_0 : i32, i32
  }
  func.func @transform_3(%arg0: i32, %arg1: i32) -> (i32, i32) {
    %c0_i32 = arith.constant 0 : i32
    %c0_i32_0 = arith.constant 0 : i32
    %c0_i32_1 = arith.constant 0 : i32
    return %c0_i32, %c0_i32_0 : i32, i32
  }
  func.func @transform_4(%arg0: i32, %arg1: i32) -> (i32, i32) {
    %c0_i32 = arith.constant 0 : i32
    %c0_i32_0 = arith.constant 0 : i32
    %c0_i32_1 = arith.constant 0 : i32
    return %c0_i32, %c0_i32_0 : i32, i32
  }
  func.func @transform_5(%arg0: i32, %arg1: i32) -> (i32, i32) {
    %c0_i32 = arith.constant 0 : i32
    %c0_i32_0 = arith.constant 0 : i32
    %c0_i32_1 = arith.constant 0 : i32
    return %c0_i32, %c0_i32_0 : i32, i32
  }
  func.func @transform_6(%arg0: i32, %arg1: i32) -> (i32, i32) {
    %mul3A = arith.constant 20 : i32
    %mul3A_0 = arith.muli %arg0, %mul3A : i32
    %add3A = arith.addi %mul3A_0, %arg1 : i32
    %c0_i32 = arith.constant 0 : i32
    %c0_i32_1 = arith.constant 0 : i32
    return %add3A, %c0_i32 : i32, i32
  }
}

</mosaic_0001>

<sc_bundles>
// kernel: kernel.6.cloned.1.call-start
scs
__scs_entry_jumppad:
0x0: {  	(pc) =	sbr.rel $0x88, $3  }
0x1: {  	(tag) =	ssettag $0x0;
	lr =	simm.s32 $0x1  }
0x2: {  	[smem:$0x3F91] =	sst lr;
	_ =	strace $0xD0000000  }
0x3: {  	_ = 	snop  }
0x4: {  	_ = 	snop  }
0x5: {  	_ = 	snop  }
0x6: {  	_ = 	snop  }
0x7: {  	_ = 	snop  }
__scs_overlays_trampoline_lowered:
0x8: {  	[smem:$0x3FA0] =	sst s0  }
0x9: {  	[smem:$0x3FA1] =	sst s1  }
0xa: {  	[smem:$0x3FA2] =	sst s2  }
0xb: {  	[smem:$0x3FA3] =	sst s3  }
0xc: {  	[smem:$0x3FA4] =	sst s4  }
0xd: {  	[smem:$0x3FA5] =	sst s5  }
0xe: {  	[smem:$0x3FA6] =	sst s6  }
0xf: {  	[smem:$0x3FA7] =	sst s7  }
0x10: {  	[smem:$0x3FA8] =	sst s8  }
0x11: {  	[smem:$0x3FA9] =	sst s9;
	s0 =	simm.s32 @!p0 $0x0  }
0x12: {  	s1 =	sld [smem:$0x3F8F];
	s0 =	simm.s32 @p0 $0x1  }
0x13: {  	[smem:$0x3FAA] =	sst s0;
	s0 =	simm.s32 @!p1 $0x0  }
0x14: {  	s2 =	sld [smem:$0x3F8E];
	s0 =	simm.s32 @p1 $0x1  }
0x15: {  	[smem:$0x3FAB] =	sst s0;
	s0 =	simm.s32 @!p2 $0x0  }
0x16: {  	s3 =	sld [smem:$0x3FDB];
	s0 =	simm.s32 @p2 $0x1  }
0x17: {  	s4 =	simm.s32 $0x1BF5;
	[smem:$0x3FAD] =	sst s0  }
0x18: {  	s0 =	sld [smem:$0x3F90];
	_ =	swait.ge [sflag:s4], $0x0  }
0x19: {  	s7 =	sld [smem:$0x3F91]  }
0x1a: {  	s8 =	sadd.s32 $0xFFFFE003, lr  }
0x1b: {  	s9 =	sadd.s32 $0xFFFFFEF7, lr;
	s5 =	simm.s32 $0xFFFFFFFF;
	p2 =	slt.u32 s8, $0xFFFFF086  }
0x1c: {  	p1 =	slt.u32 s9, $0xF7A;
	s5 =	simm.s32 @!p2 $0x0  }
0x1d: {  	s5 =	simm.s32 @p1 $0x1;
	p0 =	seq.s32 s7, s2  }
0x1e: {  	s7 =	smul.u32 @!p0 $0xF7A, s2;
	p2 =	seq.s32 @!p0 s5, $0x0  }
0x1f: {  	s9 =	smul.u32 $0xF7A, s1;
	s8 =	simm.s32 @!p0 $0x1BF5;
	p2 =	por !p2, p0  }
0x20: {  	[sflag:s8] =	ssyncset.s32 @!p0 $0xFFFFF086;
	s6 =	sadd.s32 @!p0 s3, s7;
	s7 =	simm.s32 @!p0 $0x108  }
0x21: {  	s3 =	sadd.s32 s3, s9;
	s6 =	sadd.s32 @!p0 $0x88, s6;
	s7 =	simm.s32 @p2 $0x1082  }
0x22: {  	[simem:s7], [sflag:s8] =	dma.local @!p0 [hbm:s6], $0xF7A  }
0x23: {  	s9 =	sor.u32 $0xD0000000, s2;
	s6 =	simm.s32 $0x108;
	_ =	swait.ge @!p0 [sflag:s8], $0x0  }
0x24: {  	s3 =	sadd.s32 $0x88, s3;
	s6 =	simm.s32 @!p1 $0x1082;
	[sflag:s4] =	ssyncset.s32 $0xFFFFF086  }
0x25: {  	[simem:s6], [sflag:s4] =	dma.local [hbm:s3], $0xF7A  }
0x26: {  	[smem:$0x3F91] =	sst s1;
	(tag) =	ssettag s2;
	_ =	strace s9  }
0x27: {  	s1 =	sld [smem:$0x3FA1]  }
0x28: {  	s2 =	sld [smem:$0x3FA2]  }
0x29: {  	s4 =	sld [smem:$0x3FA4]  }
0x2a: {  	p0 =	seq.s32 s5, $0x0;
	s5 =	sld [smem:$0x3FA5]  }
0x2b: {  	s6 =	sld [smem:$0x3FA6]  }
0x2c: {  	s7 =	sld [smem:$0x3FA7]  }
0x2d: {  	s3 =	simm.s32 $0x108;
	s8 =	sld [smem:$0x3FA8]  }
0x2e: {  	s3 =	simm.s32 @!p0 $0x1082;
	s9 =	sld [smem:$0x3FA9]  }
0x2f: {  	lr =	sadd.s32 s0, s3;
	s0 =	sld [smem:$0x3FA0]  }
0x30: {  	s3 =	sld [smem:$0x3FA3]  }
0x31: {  	[smem:$0x3FAC] =	sst s10  }
0x32: {  	s10 =	sld [smem:$0x3FAA];
	_ =	sdelay $0x3  }
0x33: {  	p0 =	seq.s32 s10, $0x1;
	s10 =	sld [smem:$0x3FAC];
	_ =	sdelay $0x3  }
0x34: {  	[smem:$0x3FAC] =	sst s10  }
0x35: {  	s10 =	sld [smem:$0x3FAB];
	_ =	sdelay $0x3  }
0x36: {  	p1 =	seq.s32 s10, $0x1;
	s10 =	sld [smem:$0x3FAC];
	_ =	sdelay $0x3  }
0x37: {  	[smem:$0x3FAC] =	sst s10  }
0x38: {  	s10 =	sld [smem:$0x3FAD]  }
0x39: {  	_ = 	snop;
	(pc) =	sbr.ind lr, $3  }
0x3a: {  	_ = 	snop  }
0x3b: {  	_ = 	snop  }
0x3c: {  	p2 =	seq.s32 s10, $0x1;
	s10 =	sld [smem:$0x3FAC]  }
0x3d: {  	_ =	shalt  }
0x3e: {  	_ =	shalt  }
0x3f: {  	_ =	shalt  }
0x40: {  	_ =	shalt  }
0x41: {  	_ =	shalt  }
0x42: {  	_ =	shalt  }
0x43: {  	_ =	shalt  }
0x44: {  	_ =	shalt  }
0x45: {  	_ =	shalt  }
0x46: {  	_ =	shalt  }
0x47: {  	_ =	shalt  }
0x48: {  	_ =	shalt  }
0x49: {  	_ =	shalt  }
0x4a: {  	_ =	shalt  }
0x4b: {  	_ =	shalt  }
0x4c: {  	_ =	shalt  }
0x4d: {  	_ =	shalt  }
0x4e: {  	_ =	shalt  }
0x4f: {  	_ =	shalt  }
0x50: {  	_ =	shalt  }
0x51: {  	_ =	shalt  }
0x52: {  	_ =	shalt  }
0x53: {  	_ =	shalt  }
0x54: {  	_ =	shalt  }
0x55: {  	_ =	shalt  }
0x56: {  	_ =	shalt  }
0x57: {  	_ =	shalt  }
0x58: {  	_ =	shalt  }
0x59: {  	_ =	shalt  }
0x5a: {  	_ =	shalt  }
0x5b: {  	_ =	shalt  }
0x5c: {  	_ =	shalt  }
0x5d: {  	_ =	shalt  }
0x5e: {  	_ =	shalt  }
0x5f: {  	_ =	shalt  }
0x60: {  	_ =	shalt  }
0x61: {  	_ =	shalt  }
0x62: {  	_ =	shalt  }
0x63: {  	_ =	shalt  }
0x64: {  	_ =	shalt  }
0x65: {  	_ =	shalt  }
0x66: {  	_ =	shalt  }
0x67: {  	_ =	shalt  }
0x68: {  	_ =	shalt  }
0x69: {  	_ =	shalt  }
0x6a: {  	_ =	shalt  }
0x6b: {  	_ =	shalt  }
0x6c: {  	_ =	shalt  }
0x6d: {  	_ =	shalt  }
0x6e: {  	_ =	shalt  }
0x6f: {  	_ =	shalt  }
0x70: {  	_ =	shalt  }
0x71: {  	_ =	shalt  }
0x72: {  	_ =	shalt  }
0x73: {  	_ =	shalt  }
0x74: {  	_ =	shalt  }
0x75: {  	_ =	shalt  }
0x76: {  	_ =	shalt  }
0x77: {  	_ =	shalt  }
0x78: {  	_ =	shalt  }
0x79: {  	_ =	shalt  }
0x7a: {  	_ =	shalt  }
0x7b: {  	_ =	shalt  }
0x7c: {  	_ =	shalt  }
0x7d: {  	_ =	shalt  }
0x7e: {  	_ =	shalt  }
0x7f: {  	_ =	shalt  }
0x80: {  	_ =	shalt  }
0x81: {  	_ =	shalt  }
0x82: {  	_ =	shalt  }
0x83: {  	_ =	shalt  }
0x84: {  	_ =	shalt  }
0x85: {  	_ =	shalt  }
0x86: {  	_ =	shalt  }
0x87: {  	_ =	shalt  }
.Lfunc_end0:
.L_simem_size_0:
called_computation_lowered:
.L_overlay_start_0:
0x88: {  	s2 =	sld [smem:$0x3FD9]  }
0x89: {  	s3 =	sld [smem:$0x3FFE];
	_ =	sdelay $0x1  }
0x8a: {  	s1 =	srdreg.scid  }
0x8b: {  	s0 =	sand.u32 $0x1, s1  }
0x8c: {  	s17 =	sshll.u32 s0, $0xA;
	s2 =	sadd.s32 s3, s2  }
0x8d: {  	s2 =	sadd.s32 s2, s17  }
0x8e: {  	[smem:$0x3FB8] =	sst s2  }
0x8f: {  	_ = 	snop  }
0x90: {  	s2 =	sld [smem:$0x3FD0];
	(tm) =	ssettm $0x1  }
0x91: {  	s18 =	sld [smem:$0x3FFB];
	_ =	sdelay $0x3  }
0x92: {  	_ =	strace s18  }
0x93: {  	s3 =	sld [smem:$0x3FFC];
	_ =	sdelay $0x3  }
0x94: {  	_ =	strace s3  }
0x95: {  	s3 =	sld [smem:$0x3FFD];
	_ =	sdelay $0x3  }
0x96: {  	_ =	strace s3  }
0x97: {  	_ =	strace $0x8FFFFFFF  }
0x98: {  	s19 =	sld [smem:$0x3FDB];
	_ =	sdelay $0x1  }
0x99: {  	s4 =	simm.s32 $_scs_section_size  }
0x9a: {  	s5 =	simm.s32 $_size__tile_overlayer_lowered;
	s6 =	simm.s32 $_tile_overlayer_lowered  }
0x9b: {  	s22 =	simm.s32 $0x1BFF;
	s21 =	sshll.u32 s6, $0x1;
	s3 =	sadd.s32 s4, s19  }
0x9c: {  	s7 =	simm.s32 $0x0;
	s20 =	sshll.u32 s5, $0x1;
	s5 =	sadd.s32 s21, s3  }
0x9d: {  	[timem:s7], [sflag:s22] =	dma.local [hbm:s5], s20  }
0x9e: {  	_ =	swait.ge [sflag:s22], s20  }
0x9f: {  	s4 =	ssub.s32 $0x0, s20;
	[sflag:s22] =	ssyncset.done $0x0  }
0xa0: {  	[sflag:s22] =	ssyncadd.s32 s4;
	_ =	sdelay $0x1  }
0xa1: {  	s23 =	simm.s32 $0x1B8B  }
0xa2: {  	_ =	swait.ge [sflag:s23], $0x1  }
0xa3: {  	[sflag:s23] =	ssyncset.done $0x0  }
0xa4: {  	s25 =	simm.s32 $0x1B8E;
	s24 =	sld [smem:$0x3FFE];
	[sflag:s23] =	ssyncadd.s32 $0xFFFFFFFF  }
0xa5: {  	s26 =	simm.s32 $execute0_lowered;
	[smem:$0x3FD2] =	sst s25  }
0xa6: {  	s5 =	sshll.u32 s26, $0x1;
	_ =	strace $0x80000046;
	[dreg:$0x1] =	wrdreg $0xFFFFFFFF  }
0xa7: {  	s28 =	simm.s32 $_size_execute0_lowered;
	s3 =	sadd.s32 s3, s5;
	[dreg:$0x0] =	wrdreg $0x0  }
0xa8: {  	s5 =	sshll.u32 s28, $0x1;
	[dreg:$0x2] =	wrdreg s3  }
0xa9: {  	[dreg:$0x3] =	wrdreg s5  }
0xaa: {  	[dreg:$0x4] =	wrdreg $0xC0  }
0xab: {  	_ =	task [dreg:s7], $0x5FFFF  }
0xac: {  	[dreg:$0x1] =	wrdreg $0xFFFFFFFF  }
0xad: {  	[dreg:$0x0] =	wrdreg $0x60  }
0xae: {  	[dreg:$0x2] =	wrdreg s24  }
0xaf: {  	[dreg:$0x3] =	wrdreg s2  }
0xb0: {  	[dreg:$0x4] =	wrdreg $0x9  }
0xb1: {  	_ =	task.clear_ibuf [dreg:s7], $0x5FFFF;
	_ =	strace $0x90000046  }
0xb2: {  	s29 =	simm.s32 $0x9;
	_ =	strace $0x80000048  }
0xb3: {  	_ =	swait.ge [sflag:s29], $0x1  }
0xb4: {  	[sflag:s29] =	ssyncadd.s32 $0xFFFFFFFF  }
0xb5: {  	_ =	strace $0x90000048  }
0xb6: {  	_ =	sfence  }
0xb7: {  	s30 =	sld [smem:$0x0];
	_ =	sdelay $0x2  }
0xb8: {  	s31 =	sshll.u32 s1, $0xD;
	s1 =	sshrl.u32 s1, $0x2  }
0xb9: {  	s3 =	sand.u32 $0x4000, s31;
	s1 =	sadd.s32 s1, s30  }
0xba: {  	s0 =	sor.u32 s3, s0;
	s1 =	sshll.u32 s1, $0x11  }
0xbb: {  	s0 =	sor.u32 s1, s0  }
0xbc: {  	s0 =	sadd.s32 $0x8F2B, s0  }
0xbd: {  	[sflag:s0] =	ssyncadd.remote.s32 $0x1  }
0xbe: {  	_ =	sfence.sel $0xFFFF  }
0xbf: {  	[dreg:$0x0] =	wrdreg $0xFFFFFFFF;
	(pc) =	sbr.abs _section_cstart, $3  }
0xc0: {  	[dreg:$0x1] =	wrdreg $0xFFFFFFFF  }
0xc1: {  	_ =	task.clear_ibuf [dreg:s7], $0x2FFFF;
	_ =	strace $0x9FFFFFFF  }
0xc2: {  	(tm) =	ssettm $0x7FFFFFFF  }
0xc3: {  	_ =	shalt  }
tec
execute0_lowered:
.L_overlay_start_1:
0x0: {  	(tag) =	ssettag $0x1  }
0x1: {  	s4 =	rddreg [dreg:$0x0];
	s1 =	srdreg.scid  }
0x2: {  	s0 =	stileid.u32;
	s5 =	rddreg [dreg:$0x1];
	s2 =	simm.s32 $0x0  }
0x3: {  	s13 =	simm.s32 $0x1;
	s14 =	simm.s32 $0x2;
	s15 =	simm.s32 $0x0  }
0x4: {  	s6 =	sand.u32 $0x1, s1;
	s3 =	sshll.u32 s0, $0x1;
	s1 =	rddreg [dreg:$0x2]  }
0x5: {  	[smem:$0x7FF] =	sst s2;
	s9 =	sadd.s32 $0x39E00, s4;
	s10 =	smul.u32 $0x50000, s0  }
0x6: {  	s7 =	sor.u32 s6, s3;
	_ =	strace $0x80000047;
	s12 =	smul.u32 $0x28000, s6  }
0x7: {  	s3 =	sadd.s32 $0x1E00, s4;
	s29 =	ssub.s32 $0x2, s6;
	s8 =	smul.u32 $0x2800, s7  }
0x8: {  	s7 =	smul.u32 $0x28000, s7;
	s11 =	sshrl.u32 s29, $0x1;
	s31 =	sadd.s32 s10, s9  }
0x9: {  	s10 =	simm.s32 $0x50;
	s30 =	ssub.s32 s29, s11;
	s11 =	simm.s32 $0x2800  }
0xa: {  	s8 =	sshrl.u32 s8, $0x3;
	s6 =	sadd.s32 s9, s7;
	s9 =	simm.s32 $0x3  }
0xb: {  	s4 =	sadd.s32 s5, s8;
	s5 =	smax.u32 s30, $0x1;
	s8 =	sadd.s32 s12, s31  }
0xc: {  	s7 =	sadd.s32 $0x27B00, s6;
	s12 =	simm.s32 $0x5000;
	s8 =	sadd.s32 $0x500, s8  }
.LBB2_1:
0xd: {  	[tilespmem:s2], [sflag:$0x3] =	stream.linear.gather [hbm4b:s4+s2], $0x2800, $0x38;
	[tilespmem:$0x7800] =	vst v63  }
0xe: {  	_ =	swait.ge [sflag:s9], $0x2800  }
0xf: {  	[sflag:s9] =	ssyncset.done $0x0  }
0x10: {  	[sflag:s9] =	ssyncadd.s32 $0xFFFFD800  }
0x11: {  	[tilespmem:s11], [sflag:$0x1] =	stream.indirect.gather [hbm4b:s3+s10], $0x80, s2, s10, $0xb8;
	[tilespmem:$0x7800] =	vst v63  }
0x12: {  	_ = 	snop  }
0x13: {  	[tilespmem:s12], [sflag:$0x1] =	stream.indirect.gather [hbm4b:s3+s10], $0x80, s10, s10, $0xb8;
	[tilespmem:$0x7800] =	vst v63  }
0x14: {  	_ =	swait.ge [sflag:s13], $0x2800  }
0x15: {  	[sflag:s13] =	ssyncset.done $0x0  }
0x16: {  	[sflag:s13] =	ssyncadd.s32 $0xFFFFD800  }
0x17: {  	[hbm4b:s6+s2] =	stream.linear.scatter [tilespmem:s11], [sflag:$0x2], $0x2800, $0x38;
	[tilespmem:$0x7800] =	vst v63  }
0x18: {  	s16 =	sand.u32 $0x1, s14;
	_ =	swait.ge [sflag:s14], $0x2800  }
0x19: {  	p0 =	seq.s32 s16, $0x1;
	s16 =	simm.s32 $0x5000;
	[sflag:s14] =	ssyncset.done $0x0  }
0x1a: {  	s17 =	simm.s32 $0xA0;
	s16 =	simm.s32 @!p0 $0x2800;
	[sflag:s14] =	ssyncadd.s32 $0xFFFFD800  }
0x1b: {  	[tilespmem:s16], [sflag:$0x1] =	stream.indirect.gather [hbm4b:s3+s10], $0x80, s17, s10, $0xb8;
	[tilespmem:$0x7800] =	vst v63  }
0x1c: {  	s20 =	simm.s32 $0x2800;
	s18 =	sadd.s32 $0x500, s8;
	_ =	swait.ge [sflag:s13], $0x2800  }
0x1d: {  	s19 =	smov.u32 s8;
	s20 =	simm.s32 @!p0 $0x5000;
	[sflag:s13] =	ssyncset.done $0x0  }
0x1e: {  	s16 =	simm.s32 $0x3;
	s17 =	simm.s32 $0xF0;
	[sflag:s13] =	ssyncadd.s32 $0xFFFFD800  }
.LBB2_2:
0x1f: {  	[hbm4b:s19+s2] =	stream.linear.scatter [tilespmem:s20], [sflag:$0x2], $0x2800, $0x38;
	[tilespmem:$0x7800] =	vst v63  }
0x20: {  	s19 =	sand.u32 $0x1, s16  }
0x21: {  	p0 =	sne.s32 s16, $0x7F;
	s16 =	sadd.s32 $0x1, s16;
	_ =	swait.ge [sflag:s14], $0x2800  }
0x22: {  	p1 =	seq.s32 s19, $0x1;
	s19 =	simm.s32 $0x5000;
	[sflag:s14] =	ssyncset.done $0x0  }
.Ltmp0:
0x23: {  	s19 =	simm.s32 @!p1 $0x2800;
	[sflag:s14] =	ssyncadd.s32 $0xFFFFD800;
	(pc) =	sbr.rel @p0 .LBB2_2-.Ltmp0, $4  }
0x24: {  	[tilespmem:s19], [sflag:$0x1] =	stream.indirect.gather [hbm4b:s3+s10], $0x80, s17, s10, $0xb8;
	[tilespmem:$0x7800] =	vst v63  }
0x25: {  	s19 =	smov.u32 s18;
	_ =	swait.ge [sflag:s13], $0x2800  }
0x26: {  	s20 =	simm.s32 $0x2800;
	s17 =	sadd.s32 $0x50, s17;
	[sflag:s13] =	ssyncset.done $0x0  }
0x27: {  	s20 =	simm.s32 @!p1 $0x5000;
	s18 =	sadd.s32 $0x500, s18;
	[sflag:s13] =	ssyncadd.s32 $0xFFFFD800  }
0x28: {  	[hbm4b:s19+s2] =	stream.linear.scatter [tilespmem:s20], [sflag:$0x2], $0x2800, $0x38;
	[tilespmem:$0x7800] =	vst v63  }
0x29: {  	_ =	swait.ge [sflag:s14], $0x2800  }
0x2a: {  	[sflag:s14] =	ssyncset.done $0x0  }
0x2b: {  	[sflag:s14] =	ssyncadd.s32 $0xFFFFD800  }
0x2c: {  	s15 =	sadd.s32 $0x1, s15;
	_ =	swait.ge [sflag:s13], $0x2800  }
0x2d: {  	p0 =	sne.s32 s15, s5;
	[sflag:s13] =	ssyncset.done $0x0  }
.Ltmp1:
0x2e: {  	[sflag:s13] =	ssyncadd.s32 $0xFFFFD800;
	(pc) =	sbr.rel @p0 .LBB2_1-.Ltmp1, $4  }
0x2f: {  	[hbm4b:s7+s2] =	stream.linear.scatter [tilespmem:s12], [sflag:$0x2], $0x2800, $0x38;
	[tilespmem:$0x7800] =	vst v63  }
0x30: {  	_ =	swait.ge [sflag:s14], $0x2800  }
0x31: {  	[sflag:s14] =	ssyncset.done $0x0  }
0x32: {  	[sflag:s14] =	ssyncadd.s32 $0xFFFFD800  }
0x33: {  	_ =	sfence.sel $0x180000  }
0x34: {  	[bflag:$0x0] =	sbarrier.arrive $0xFFFF  }
0x35: {  	p0 =	sne.s32 s0, $0x0;
	_ =	strace $0x90000047  }
0x36: {  	s0 =	sadd.s32 @!p0 $0x100000, s1;
	[bflag:$0x2] =	sbarrier.arrive $0xFFFF  }
0x37: {  	[sflag:s0] =	ssyncadd.tile.s32 @!p0 $0x1;
	_ =	shalt  }
.Lfunc_end2:
_tile_overlayer_lowered:
.L_overlay_start_2:
0x38: {  	(tag) =	ssettag $0x2  }
0x39: {  	s0 =	rddreg [dreg:$0x0];
	s2 =	stileid.u32  }
0x3a: {  	s1 =	rddreg [dreg:$0x1];
	p0 =	sne.s32 s2, $0x0  }
0x3b: {  	s3 =	rddreg [dreg:$0x2];
	[bflag:$0x3] =	sbarrier.arrive $0xFFFF;
	s2 =	simm.s32 @!p0 $0x1C03  }
0x3c: {  	[timem:s3], [sflag:s2] =	dma.local @!p0 [hbm:s0], s1  }
0x3d: {  	s0 =	simm.s32 @!p0 $0x3  }
0x3e: {  	_ =	swait.ge @!p0 [sflag:s0], s1  }
0x3f: {  	s1 =	ssub.s32 @!p0 $0x0, s1;
	[sflag:s0] =	ssyncset.done @!p0 $0x0  }
0x40: {  	[sflag:s0] =	ssyncadd.s32 @!p0 s1  }
0x41: {  	[bflag:$0x3] =	sbarrier.arrive $0xFFFF  }
0x42: {  	_ =	shalt  }

</sc_bundles>
